<compile_context>
chip_gen: v7x
topology: tpu7x:2x2x1
jax: 0.10.2.dev20260603
libtpu: 0.0.44.dev20260713+nightly
codegen_flags: <defaults>
</compile_context>

<pallas_src>
import functools

import jax
import jax.numpy as jnp
from jax import lax
from jax.experimental import pallas as pl
from jax.experimental.pallas import tpu as pltpu
from jax.experimental.pallas import tpu_sc as plsc

_N_CODES = 1024
_D = 256
_BETA = 0.25
_DECAY = 0.97
_N_ROWS = 16384
_BLK = 4096
_GRID = _N_ROWS // _BLK
_NC, _NS = 2, 16
_NW = _NC * _NS
_HALF = _N_ROWS // 2
_SC_RPW = _HALF // _NW
_CHUNK = 128
_NCHUNK = _SC_RPW // _CHUNK
_CBLK = 4096
_CGRID_H = _HALF // _CBLK


def _assign_body(z_ref, cb_ref, ema_w_ref, codes_ref, cbpack_ref,
                 cbn_ref, dw_ref):
    i = pl.program_id(0)

    @pl.when(i == 0)
    def _():
        cb = cb_ref[...]
        nrm = jnp.sqrt(jnp.sum(cb * cb, axis=1, keepdims=True))
        cbn_ref[...] = (cb / jnp.maximum(nrm, 1e-12)) * (-2.0)
        dw_ref[...] = jnp.zeros_like(dw_ref)

    z = z_ref[...]
    zn = z / jnp.maximum(jnp.sqrt(jnp.sum(z * z, axis=1, keepdims=True)), 1e-12)
    dots2 = lax.dot_general(zn, cbn_ref[...], (((1,), (1,)), ((), ())),
                            preferred_element_type=jnp.float32)
    d = 2.0 + dots2
    dmin = jnp.min(d, axis=1, keepdims=True)
    mask = d == dmin
    idxf = lax.broadcasted_iota(jnp.int32, (1, _N_CODES), 1).astype(jnp.float32)
    codes = jnp.min(jnp.where(mask, idxf, float(_N_CODES)),
                    axis=1).astype(jnp.int32)
    codes_ref[0, 0, :] = codes
    dwp = lax.dot_general(mask.astype(jnp.bfloat16), zn.astype(jnp.bfloat16),
                          (((0,), (0,)), ((), ())),
                          preferred_element_type=jnp.float32)
    dw_ref[...] += dwp

    @pl.when(i == _GRID - 1)
    def _():
        w = ema_w_ref[...] * _DECAY + (1.0 - _DECAY) * dw_ref[...]
        nrm = jnp.sqrt(jnp.sum(w * w, axis=1, keepdims=True))
        cbnew = w / jnp.maximum(nrm, 1e-12)
        lo = lax.bitcast_convert_type(
            cbnew[:, :128].astype(jnp.bfloat16), jnp.uint16).astype(jnp.uint32)
        hi = lax.bitcast_convert_type(
            cbnew[:, 128:].astype(jnp.bfloat16), jnp.uint16).astype(jnp.uint32)
        cbpack_ref[...] = (lo | (hi << 16)).astype(jnp.int32)


def _assign(z_e, codebook, ema_w):
    return pl.pallas_call(
        _assign_body,
        grid=(_GRID,),
        in_specs=[
            pl.BlockSpec((_BLK, _D), lambda i: (i, 0)),
            pl.BlockSpec((_N_CODES, _D), lambda i: (0, 0)),
            pl.BlockSpec((_N_CODES, _D), lambda i: (0, 0)),
        ],
        out_specs=[
            pl.BlockSpec((1, 1, _BLK), lambda i: (i, 0, 0)),
            pl.BlockSpec((_N_CODES, _D // 2), lambda i: (0, 0)),
        ],
        out_shape=[
            jax.ShapeDtypeStruct((_GRID, 1, _BLK), jnp.int32),
            jax.ShapeDtypeStruct((_N_CODES, _D // 2), jnp.int32),
        ],
        scratch_shapes=[
            pltpu.VMEM((_N_CODES, _D), jnp.float32),
            pltpu.VMEM((_N_CODES, _D), jnp.float32),
        ],
    )(z_e, codebook, ema_w)


def _gather_body(codes_hbm, cb_hbm, zq_hbm, idx_v, rows0, rows1, gs0, gs1, ws0, ws1):
    c = lax.axis_index("c")
    s = lax.axis_index("s")
    base = c * (_NS * _SC_RPW) + s * _SC_RPW
    rows = (rows0, rows1)
    gsem = (gs0, gs1)
    wsem = (ws0, ws1)
    pltpu.sync_copy(codes_hbm.at[c, 0, pl.ds(s * _SC_RPW, _SC_RPW)], idx_v)
    gathers = [None] * _NCHUNK
    writes = [None] * _NCHUNK
    for k in range(2):
        gathers[k] = pltpu.async_copy(
            cb_hbm.at[idx_v.at[pl.ds(k * _CHUNK, _CHUNK)]], rows[k], gsem[k])
    for k in range(_NCHUNK):
        b = k % 2
        gathers[k].wait()
        writes[k] = pltpu.async_copy(
            rows[b], zq_hbm.at[pl.ds(base + k * _CHUNK, _CHUNK)], wsem[b])
        if k + 2 < _NCHUNK:
            writes[k].wait()
            gathers[k + 2] = pltpu.async_copy(
                cb_hbm.at[idx_v.at[pl.ds((k + 2) * _CHUNK, _CHUNK)]], rows[b], gsem[b])
    writes[_NCHUNK - 2].wait()
    writes[_NCHUNK - 1].wait()


def _gather(codes3, cbpack):
    mesh = plsc.VectorSubcoreMesh(core_axis_name="c", subcore_axis_name="s")
    run = functools.partial(
        pl.kernel,
        out_type=jax.ShapeDtypeStruct((_HALF, _D // 2), jnp.int32),
        mesh=mesh,
        scratch_types=[
            pltpu.VMEM((_SC_RPW,), jnp.int32),
            pltpu.VMEM((_CHUNK, _D // 2), jnp.int32),
            pltpu.VMEM((_CHUNK, _D // 2), jnp.int32),
            pltpu.SemaphoreType.DMA,
            pltpu.SemaphoreType.DMA,
            pltpu.SemaphoreType.DMA,
            pltpu.SemaphoreType.DMA,
        ],
    )(_gather_body)
    return run(codes3, cbpack)


def _half2_body(ze_ref, codes_ref, cbp_ref, out_ref, accb_ref, cbbf_ref, acc_ref):
    i = pl.program_id(0)

    @pl.when(i == 0)
    def _():
        cbp = cbp_ref[...]
        lo = lax.bitcast_convert_type(cbp << 16, jnp.float32)
        hi = lax.bitcast_convert_type(cbp & jnp.int32(-65536), jnp.float32)
        cbbf_ref[...] = jnp.concatenate(
            [lo.astype(jnp.bfloat16), hi.astype(jnp.bfloat16)], axis=1)
        acc_ref[...] = jnp.zeros_like(acc_ref)

    codes_blk = codes_ref[0, 0, :]
    oh = (codes_blk[:, None] ==
          lax.broadcasted_iota(jnp.int32, (1, _N_CODES), 1)).astype(jnp.bfloat16)
    zq = lax.dot_general(oh, cbbf_ref[...], (((1,), (0,)), ((), ())),
                         preferred_element_type=jnp.float32)
    ze = ze_ref[...]
    t = zq - ze
    out_ref[...] = ze + t
    acc_ref[...] += jnp.sum(t * t, axis=0, keepdims=True)

    @pl.when(i == _CGRID_H - 1)
    def _():
        accb_ref[...] = acc_ref[...]


def _half2(z_e, codes_b, cbpack):
    return pl.pallas_call(
        _half2_body,
        grid=(_CGRID_H,),
        in_specs=[
            pl.BlockSpec((_CBLK, _D), lambda i: (i + _CGRID_H, 0)),
            pl.BlockSpec((1, 1, _CBLK), lambda i: (2 + i, 0, 0)),
            pl.BlockSpec((_N_CODES, _D // 2), lambda i: (0, 0)),
        ],
        out_specs=[
            pl.BlockSpec((_CBLK, _D), lambda i: (i + _CGRID_H, 0)),
            pl.BlockSpec((1, _D), lambda i: (0, 0)),
        ],
        out_shape=[
            jax.ShapeDtypeStruct((_N_ROWS, _D), jnp.float32),
            jax.ShapeDtypeStruct((1, _D), jnp.float32),
        ],
        scratch_shapes=[
            pltpu.VMEM((_N_CODES, _D), jnp.bfloat16),
            pltpu.VMEM((1, _D), jnp.float32),
        ],
    )(z_e, codes_b, cbpack)


def _half1_body(ze_ref, zq_ref, accb_ref, prev_ref, out_ref, loss_ref, acc_ref):
    i = pl.program_id(0)
    zp = zq_ref[...]
    zq_lo = lax.bitcast_convert_type(zp << 16, jnp.float32)
    zq_hi = lax.bitcast_convert_type(zp & jnp.int32(-65536), jnp.float32)
    ze_lo = ze_ref[:, :128]
    ze_hi = ze_ref[:, 128:]
    t_lo = zq_lo - ze_lo
    t_hi = zq_hi - ze_hi
    out_ref[:, :128] = ze_lo + t_lo
    out_ref[:, 128:] = ze_hi + t_hi

    @pl.when(i == 0)
    def _():
        acc_ref[...] = jnp.zeros_like(acc_ref)

    acc_ref[...] += jnp.concatenate(
        [jnp.sum(t_lo * t_lo, axis=0, keepdims=True),
         jnp.sum(t_hi * t_hi, axis=0, keepdims=True)], axis=1)

    @pl.when(i == _CGRID_H - 1)
    def _():
        loss_ref[0, 0] = _BETA * (jnp.sum(acc_ref[...]) +
                                  jnp.sum(accb_ref[...])) / (_N_ROWS * _D)


def _half1(z_e, zqp, accb, out1):
    return pl.pallas_call(
        _half1_body,
        grid=(_CGRID_H,),
        in_specs=[
            pl.BlockSpec((_CBLK, _D), lambda i: (i, 0)),
            pl.BlockSpec((_CBLK, _D // 2), lambda i: (i, 0)),
            pl.BlockSpec((1, _D), lambda i: (0, 0)),
            pl.BlockSpec((8, 128), lambda i: (0, 0)),
        ],
        out_specs=[
            pl.BlockSpec((_CBLK, _D), lambda i: (i, 0)),
            pl.BlockSpec((1, 1), lambda i: (0, 0), memory_space=pltpu.SMEM),
        ],
        out_shape=[
            jax.ShapeDtypeStruct((_N_ROWS, _D), jnp.float32),
            jax.ShapeDtypeStruct((1, 1), jnp.float32),
        ],
        scratch_shapes=[pltpu.VMEM((1, _D), jnp.float32)],
        input_output_aliases={3: 0},
    )(z_e, zqp, accb, out1)


def kernel(z_e, codebook, ema_cluster_size, ema_w):
    del ema_cluster_size
    codes3, cbpack = _assign(z_e, codebook, ema_w)
    zqp = _gather(codes3, cbpack)
    out1, accb = _half2(z_e, codes3, cbpack)
    zq_out, loss = _half1(z_e, zqp, accb, out1)
    return (zq_out, codes3.reshape(_N_ROWS), loss.reshape(()))

# --- scband reference (transcript-rebuilt; emitter-appended) ---
"""Pipeline reference for scband-vector-quantizer-ema-14302241096429 (READ-ONLY COPY).

The authoritative reference and input builder live on the scoring server;
editing this copy changes nothing except your own understanding.
"""

import jax, jax.numpy as jnp
import numpy as np

N_CODES = 1024
D_CODE = 256
BETA = 0.25
DECAY = 0.97
EPS = 1e-05


def _normalize(x, axis=1):
    n = jnp.linalg.norm(x, axis=axis, keepdims=True)
    return x / jnp.clip(n, 1e-12)


def setup_inputs(seed: int = 0) -> dict:
    key = jax.random.key(seed)
    k1, k2, k3 = jax.random.split(key, 3)
    z_e = jax.random.normal(k1, (16384, D_CODE), dtype=jnp.float32)
    codebook = jax.random.normal(k2, (N_CODES, D_CODE), dtype=jnp.float32)
    ema_cluster_size = jnp.zeros((N_CODES,), dtype=jnp.float32)
    ema_w = jax.random.normal(k3, (N_CODES, D_CODE), dtype=jnp.float32)
    return {"z_e": z_e, "codebook": codebook, "ema_cluster_size": ema_cluster_size, "ema_w": ema_w}


def reference(z_e, codebook, ema_cluster_size, ema_w):
    z = _normalize(z_e, axis=1)
    cb = _normalize(codebook, axis=1)
    # 'no_grad' block: distances, assignment, EMA updates
    d = 2.0 - 2.0 * (z @ cb.T)
    codes = jnp.argmin(d, axis=1)
    onehot = jax.nn.one_hot(codes, N_CODES, dtype=jnp.float32)
    ema_cs = ema_cluster_size * DECAY + (1.0 - DECAY) * onehot.sum(axis=0)
    dw = onehot.T @ z
    ema_w_new = ema_w * DECAY + (1.0 - DECAY) * dw
    n = ema_cs.sum()
    cluster_size = (ema_cs + EPS) / (n + N_CODES * EPS) * n
    embed_normalized = _normalize(ema_w_new / cluster_size[:, None], axis=1)
    # codebook.data.copy_(embed_normalized): codebook now holds updated values
    codebook_new = embed_normalized
    z_q = _normalize(codebook_new[codes], axis=1)
    vq_loss = BETA * jnp.mean((z_e - z_q) ** 2)
    z_q_out = z_e + jax.lax.stop_gradient(z_q - z_e)
    return (z_q_out, codes, vq_loss)

if __name__ == "__main__":
    import jax
    _d = setup_inputs()
    print(jax.jit(kernel)(*tuple(_d.values())))

</pallas_src>

<mosaic_0001>
#map = affine_map<(d0, d1) -> (0, 0, 0)>
#map1 = affine_map<(d0, d1) -> (0, 0)>
module attributes {stable_mosaic.version = 14 : i64} {
  func.func @_gather_body(%arg0: i32, %arg1: i32, %arg2: memref<4x1x4096xi32, #tpu.memory_space<hbm>>, %arg3: memref<1024x128xi32, #tpu.memory_space<hbm>>, %arg4: memref<8192x128xi32, #tpu.memory_space<hbm>>, %arg5: memref<256xi32, #tpu.memory_space<vmem>>, %arg6: memref<128x128xi32, #tpu.memory_space<vmem>>, %arg7: memref<128x128xi32, #tpu.memory_space<vmem>>, %arg8: memref<!tpu.dma_semaphore, #tpu.memory_space<semaphore_mem>>, %arg9: memref<!tpu.dma_semaphore, #tpu.memory_space<semaphore_mem>>, %arg10: memref<!tpu.dma_semaphore, #tpu.memory_space<semaphore_mem>>, %arg11: memref<!tpu.dma_semaphore, #tpu.memory_space<semaphore_mem>>) attributes {dimension_semantics = [#tpu.dimension_semantics<core_parallel>, #tpu.dimension_semantics<subcore_parallel>], iteration_bounds = array<i64: 2, 16>, scalar_prefetch = 0 : i64, scratch_operands = 7 : i64, tpu.core_type = #tpu.core_type<sc_vector_subcore>, window_params = [{transform_indices = #map}, {transform_indices = #map1}, {transform_indices = #map1}]} {
    %mul3A = arith.constant 4096 : i32
    %mul3A_0 = arith.muli %arg0, %mul3A : i32
    %mul3A_1 = arith.constant 256 : i32
    %mul3A_2 = arith.muli %arg1, %mul3A_1 : i32
    %add3A = arith.addi %mul3A_0, %mul3A_2 : i32
    %mul3A_3 = arith.constant 256 : i32
    %mul3A_4 = arith.muli %arg1, %mul3A_3 : i32
    %run_scoped3A = arith.constant 0 : i32
    "tpu.region"() ({
      %run_scoped3A_43 = tpu.sem_alloc : memref<!tpu.dma_semaphore, #tpu.memory_space<semaphore_mem>>
      %dma_start3A_44 = tpu.memref_slice %arg2[%arg0, %run_scoped3A, %mul3A_4] : memref<4x1x4096xi32, #tpu.memory_space<hbm>> -> memref<1x1x256xi32, #tpu.memory_space<hbm>>
      %dma_start3A_45 = tpu.memref_squeeze %dma_start3A_44 : memref<1x1x256xi32, #tpu.memory_space<hbm>> -> memref<256xi32, #tpu.memory_space<hbm>>
      %dma_start3A_46 = tpu.memref_slice %arg2[%arg0, %run_scoped3A, %mul3A_4] : memref<4x1x4096xi32, #tpu.memory_space<hbm>> -> memref<1x1x256xi32, #tpu.memory_space<hbm>>
      %dma_start3A_47 = tpu.memref_squeeze %dma_start3A_46 : memref<1x1x256xi32, #tpu.memory_space<hbm>> -> memref<256xi32, #tpu.memory_space<hbm>>
      tpu.enqueue_dma source(%dma_start3A_47 : memref<256xi32, #tpu.memory_space<hbm>>) target(%arg5 : memref<256xi32, #tpu.memory_space<vmem>>) target_semaphore(%run_scoped3A_43 : memref<!tpu.dma_semaphore, #tpu.memory_space<semaphore_mem>>)
      %dma_wait3A_48 = tpu.memref_slice %arg2[%arg0, %run_scoped3A, %mul3A_4] : memref<4x1x4096xi32, #tpu.memory_space<hbm>> -> memref<1x1x256xi32, #tpu.memory_space<hbm>>
      %dma_wait3A_49 = tpu.memref_squeeze %dma_wait3A_48 : memref<1x1x256xi32, #tpu.memory_space<hbm>> -> memref<256xi32, #tpu.memory_space<hbm>>
      %dma_wait3A_50 = tpu.memref_slice %arg2[%arg0, %run_scoped3A, %mul3A_4] : memref<4x1x4096xi32, #tpu.memory_space<hbm>> -> memref<1x1x256xi32, #tpu.memory_space<hbm>>
      %dma_wait3A_51 = tpu.memref_squeeze %dma_wait3A_50 : memref<1x1x256xi32, #tpu.memory_space<hbm>> -> memref<256xi32, #tpu.memory_space<hbm>>
      tpu.wait_dma2 semaphore(%run_scoped3A_43 : memref<!tpu.dma_semaphore, #tpu.memory_space<semaphore_mem>>) src(%dma_wait3A_51 : memref<256xi32, #tpu.memory_space<hbm>>) dst(%arg5 : memref<256xi32, #tpu.memory_space<vmem>>)
      tpu.yield
    }) : () -> ()
    %dma_start3A = arith.constant 0 : i32
    %dma_start3A_5 = tpu.memref_slice %arg5[%dma_start3A] : memref<256xi32, #tpu.memory_space<vmem>> -> memref<128xi32, #tpu.memory_space<vmem>>
    %dma_start3A_6 = arith.constant 0 : i32
    %dma_start3A_7 = arith.constant 0 : i32
    %dma_start3A_8 = tpu.memref_slice %arg3[%dma_start3A_6, %dma_start3A_7] : memref<1024x128xi32, #tpu.memory_space<hbm>> -> memref<1024x128xi32, #tpu.memory_space<hbm>>
    tpu.enqueue_indirect_dma source(%dma_start3A_8 : memref<1024x128xi32, #tpu.memory_space<hbm>>) target(%arg6 : memref<128x128xi32, #tpu.memory_space<vmem>>) offsets(%dma_start3A_5 : memref<128xi32, #tpu.memory_space<vmem>>) semaphore(%arg8 : memref<!tpu.dma_semaphore, #tpu.memory_space<semaphore_mem>>)
    %dma_start3A_9 = arith.constant 128 : i32
    %dma_start3A_10 = tpu.memref_slice %arg5[%dma_start3A_9] : memref<256xi32, #tpu.memory_space<vmem>> -> memref<128xi32, #tpu.memory_space<vmem>>
    %dma_start3A_11 = arith.constant 0 : i32
    %dma_start3A_12 = arith.constant 0 : i32
    %dma_start3A_13 = tpu.memref_slice %arg3[%dma_start3A_11, %dma_start3A_12] : memref<1024x128xi32, #tpu.memory_space<hbm>> -> memref<1024x128xi32, #tpu.memory_space<hbm>>
    tpu.enqueue_indirect_dma source(%dma_start3A_13 : memref<1024x128xi32, #tpu.memory_space<hbm>>) target(%arg7 : memref<128x128xi32, #tpu.memory_space<vmem>>) offsets(%dma_start3A_10 : memref<128xi32, #tpu.memory_space<vmem>>) semaphore(%arg9 : memref<!tpu.dma_semaphore, #tpu.memory_space<semaphore_mem>>)
    %dma_wait3A = arith.constant 0 : i32
    %dma_wait3A_14 = tpu.memref_slice %arg5[%dma_wait3A] : memref<256xi32, #tpu.memory_space<vmem>> -> memref<128xi32, #tpu.memory_space<vmem>>
    %dma_wait3A_15 = arith.constant 0 : i32
    %dma_wait3A_16 = arith.constant 0 : i32
    %dma_wait3A_17 = tpu.memref_slice %arg3[%dma_wait3A_15, %dma_wait3A_16] : memref<1024x128xi32, #tpu.memory_space<hbm>> -> memref<1024x128xi32, #tpu.memory_space<hbm>>
    tpu.wait_indirect_dma semaphore(%arg8 : memref<!tpu.dma_semaphore, #tpu.memory_space<semaphore_mem>>) src(%dma_wait3A_17 : memref<1024x128xi32, #tpu.memory_space<hbm>>) dst(%arg6 : memref<128x128xi32, #tpu.memory_space<vmem>>)
    %add3A_18 = arith.constant 0 : i32
    %add3A_19 = arith.addi %add3A, %add3A_18 : i32
    %dma_start3A_20 = arith.constant 0 : i32
    %dma_start3A_21 = tpu.memref_slice %arg4[%add3A_19, %dma_start3A_20] : memref<8192x128xi32, #tpu.memory_space<hbm>> -> memref<128x128xi32, #tpu.memory_space<hbm>>
    %dma_start3A_22 = arith.constant 0 : i32
    %dma_start3A_23 = tpu.memref_slice %arg4[%add3A_19, %dma_start3A_22] : memref<8192x128xi32, #tpu.memory_space<hbm>> -> memref<128x128xi32, #tpu.memory_space<hbm>>
    tpu.enqueue_dma source(%arg6 : memref<128x128xi32, #tpu.memory_space<vmem>>) target(%dma_start3A_23 : memref<128x128xi32, #tpu.memory_space<hbm>>) target_semaphore(%arg10 : memref<!tpu.dma_semaphore, #tpu.memory_space<semaphore_mem>>)
    %dma_wait3A_24 = arith.constant 128 : i32
    %dma_wait3A_25 = tpu.memref_slice %arg5[%dma_wait3A_24] : memref<256xi32, #tpu.memory_space<vmem>> -> memref<128xi32, #tpu.memory_space<vmem>>
    %dma_wait3A_26 = arith.constant 0 : i32
    %dma_wait3A_27 = arith.constant 0 : i32
    %dma_wait3A_28 = tpu.memref_slice %arg3[%dma_wait3A_26, %dma_wait3A_27] : memref<1024x128xi32, #tpu.memory_space<hbm>> -> memref<1024x128xi32, #tpu.memory_space<hbm>>
    tpu.wait_indirect_dma semaphore(%arg9 : memref<!tpu.dma_semaphore, #tpu.memory_space<semaphore_mem>>) src(%dma_wait3A_28 : memref<1024x128xi32, #tpu.memory_space<hbm>>) dst(%arg7 : memref<128x128xi32, #tpu.memory_space<vmem>>)
    %add3A_29 = arith.constant 128 : i32
    %add3A_30 = arith.addi %add3A, %add3A_29 : i32
    %dma_start3A_31 = arith.constant 0 : i32
    %dma_start3A_32 = tpu.memref_slice %arg4[%add3A_30, %dma_start3A_31] : memref<8192x128xi32, #tpu.memory_space<hbm>> -> memref<128x128xi32, #tpu.memory_space<hbm>>
    %dma_start3A_33 = arith.constant 0 : i32
    %dma_start3A_34 = tpu.memref_slice %arg4[%add3A_30, %dma_start3A_33] : memref<8192x128xi32, #tpu.memory_space<hbm>> -> memref<128x128xi32, #tpu.memory_space<hbm>>
    tpu.enqueue_dma source(%arg7 : memref<128x128xi32, #tpu.memory_space<vmem>>) target(%dma_start3A_34 : memref<128x128xi32, #tpu.memory_space<hbm>>) target_semaphore(%arg11 : memref<!tpu.dma_semaphore, #tpu.memory_space<semaphore_mem>>)
    %dma_wait3A_35 = arith.constant 0 : i32
    %dma_wait3A_36 = tpu.memref_slice %arg4[%add3A_19, %dma_wait3A_35] : memref<8192x128xi32, #tpu.memory_space<hbm>> -> memref<128x128xi32, #tpu.memory_space<hbm>>
    %dma_wait3A_37 = arith.constant 0 : i32
    %dma_wait3A_38 = tpu.memref_slice %arg4[%add3A_19, %dma_wait3A_37] : memref<8192x128xi32, #tpu.memory_space<hbm>> -> memref<128x128xi32, #tpu.memory_space<hbm>>
    tpu.wait_dma2 semaphore(%arg10 : memref<!tpu.dma_semaphore, #tpu.memory_space<semaphore_mem>>) src(%arg6 : memref<128x128xi32, #tpu.memory_space<vmem>>) dst(%dma_wait3A_38 : memref<128x128xi32, #tpu.memory_space<hbm>>)
    %dma_wait3A_39 = arith.constant 0 : i32
    %dma_wait3A_40 = tpu.memref_slice %arg4[%add3A_30, %dma_wait3A_39] : memref<8192x128xi32, #tpu.memory_space<hbm>> -> memref<128x128xi32, #tpu.memory_space<hbm>>
    %dma_wait3A_41 = arith.constant 0 : i32
    %dma_wait3A_42 = tpu.memref_slice %arg4[%add3A_30, %dma_wait3A_41] : memref<8192x128xi32, #tpu.memory_space<hbm>> -> memref<128x128xi32, #tpu.memory_space<hbm>>
    tpu.wait_dma2 semaphore(%arg11 : memref<!tpu.dma_semaphore, #tpu.memory_space<semaphore_mem>>) src(%arg7 : memref<128x128xi32, #tpu.memory_space<vmem>>) dst(%dma_wait3A_42 : memref<128x128xi32, #tpu.memory_space<hbm>>)
    return
  }
}

module attributes {stable_mosaic.version = 14 : i64} {
  func.func @_half2_body(%arg0: i32, %arg1: memref<4096x256xf32, #tpu.memory_space<vmem>>, %arg2: memref<1x1x4096xi32, #tpu.memory_space<vmem>>, %arg3: memref<1024x128xi32, #tpu.memory_space<vmem>>, %arg4: memref<4096x256xf32, #tpu.memory_space<vmem>>, %arg5: memref<1x256xf32, #tpu.memory_space<vmem>>, %arg6: memref<1024x256xbf16, #tpu.memory_space<vmem>>, %arg7: memref<1x256xf32, #tpu.memory_space<vmem>>) attributes {dimension_semantics = [#tpu.dimension_semantics<arbitrary>], iteration_bounds = array<i64: 2>, scalar_prefetch = 0 : i64, scratch_operands = 2 : i64, tpu.core_type = #tpu.core_type<tc>, window_params = [{transform_indices = @transform_0, window_bounds = array<i64: 4096, 256>}, {transform_indices = @transform_1, window_bounds = array<i64: 1, 1, 4096>}, {pipeline_mode = #tpu.pipeline_mode<synchronous>, transform_indices = @transform_2, window_bounds = array<i64: 1024, 128>}, {transform_indices = @transform_3, window_bounds = array<i64: 4096, 256>}, {pipeline_mode = #tpu.pipeline_mode<synchronous>, transform_indices = @transform_4, window_bounds = array<i64: 1, 256>}]} {
    %eq3A = arith.constant 0 : i32
    %eq3A_0 = arith.cmpi eq, %arg0, %eq3A : i32
    %convert_element_type3A = arith.extui %eq3A_0 : i1 to i32
    %cond3A = arith.constant 0 : i32
    %cond3A_1 = arith.cmpi ne, %convert_element_type3A, %cond3A : i32
    scf.if %cond3A_1 {
      %get3A_35 = arith.constant 0 : index
      %get3A_36 = arith.constant 0 : index
      %get3A_37 = vector.load %arg3[%get3A_35, %get3A_36] : memref<1024x128xi32, #tpu.memory_space<vmem>>, vector<1024x128xi32>
      %shift_left3A = arith.constant 16 : i32
      %shift_left3A_38 = vector.broadcast %shift_left3A : i32 to vector<1024x128xi32>
      %shift_left3A_39 = arith.shli %get3A_37, %shift_left3A_38 : vector<1024x128xi32>
      %bitcast_convert_type3A = tpu.bitcast %shift_left3A_39 : vector<1024x128xi32> -> vector<1024x128xf32>
      %and3A = arith.constant -65536 : i32
      %and3A_40 = vector.broadcast %and3A : i32 to vector<1024x128xi32>
      %and3A_41 = arith.andi %get3A_37, %and3A_40 : vector<1024x128xi32>
      %bitcast_convert_type3A_42 = tpu.bitcast %and3A_41 : vector<1024x128xi32> -> vector<1024x128xf32>
      %convert_element_type3A_43 = arith.truncf %bitcast_convert_type3A : vector<1024x128xf32> to vector<1024x128xbf16>
      %convert_element_type3A_44 = arith.truncf %bitcast_convert_type3A_42 : vector<1024x128xf32> to vector<1024x128xbf16>
      %concatenate3A = tpu.concatenate %convert_element_type3A_43, %convert_element_type3A_44 in 1 : vector<1024x128xbf16>, vector<1024x128xbf16> -> vector<1024x256xbf16>
      %swap3A_45 = arith.constant 0 : index
      %swap3A_46 = arith.constant 0 : index
      %swap3A_47 = vector.load %arg6[%swap3A_45, %swap3A_46] : memref<1024x256xbf16, #tpu.memory_space<vmem>>, vector<1024x256xbf16>
      tpu.vector_store %arg6[%swap3A_45, %swap3A_46], %concatenate3A {strides = array<i32>} : memref<1024x256xbf16, #tpu.memory_space<vmem>>, vector<1024x256xbf16>,
      %broadcast_in_dim3A_48 = arith.constant 0.000000e+00 : f32
      %broadcast_in_dim3A_49 = vector.broadcast %broadcast_in_dim3A_48 : f32 to vector<1x256xf32>
      %swap3A_50 = arith.constant 0 : index
      %swap3A_51 = arith.constant 0 : index
      %swap3A_52 = vector.load %arg7[%swap3A_50, %swap3A_51] : memref<1x256xf32, #tpu.memory_space<vmem>>, vector<1x256xf32>
      tpu.vector_store %arg7[%swap3A_50, %swap3A_51], %broadcast_in_dim3A_49 {strides = array<i32>} : memref<1x256xf32, #tpu.memory_space<vmem>>, vector<1x256xf32>,
    } else {
    }
    %get3A = arith.constant 0 : index
    %get3A_2 = arith.constant 0 : index
    %get3A_3 = arith.constant 0 : index
    %get3A_4 = vector.load %arg2[%get3A, %get3A_2, %get3A_3] : memref<1x1x4096xi32, #tpu.memory_space<vmem>>, vector<1x1x4096xi32>
    %get3A_5 = vector.shape_cast %get3A_4 : vector<1x1x4096xi32> to vector<4096xi32>
    %broadcast_in_dim3A = vector.shape_cast %get3A_5 : vector<4096xi32> to vector<4096x1xi32>
    %iota3A = tpu.iota {dimensions = array<i32: 1>} : vector<1x1024xi32>
    %eq3A_6 = vector.broadcast %broadcast_in_dim3A : vector<4096x1xi32> to vector<4096x1024xi32>
    %eq3A_7 = vector.broadcast %iota3A : vector<1x1024xi32> to vector<4096x1024xi32>
    %eq3A_8 = arith.cmpi eq, %eq3A_6, %eq3A_7 : vector<4096x1024xi32>
    %convert_element_type3A_9 = arith.extui %eq3A_8 : vector<4096x1024xi1> to vector<4096x1024xi32>
    %convert_element_type3A_10 = arith.sitofp %convert_element_type3A_9 : vector<4096x1024xi32> to vector<4096x1024xf32>
    %convert_element_type3A_11 = arith.truncf %convert_element_type3A_10 : vector<4096x1024xf32> to vector<4096x1024xbf16>
    %get3A_12 = arith.constant 0 : index
    %get3A_13 = arith.constant 0 : index
    %get3A_14 = vector.load %arg6[%get3A_12, %get3A_13] : memref<1024x256xbf16, #tpu.memory_space<vmem>>, vector<1024x256xbf16>
    %dot_general3A = arith.constant dense<0.000000e+00> : vector<4096x256xf32>
    %dot_general3A_15 = tpu.matmul %convert_element_type3A_11, %get3A_14, %dot_general3A {dimension_numbers = #tpu.dot_dimension_numbers<[1], [0], [0], [1], [0, 0, 1, 1], [], []>, transpose_lhs_hint = false} : vector<4096x1024xbf16>, vector<1024x256xbf16>, vector<4096x256xf32> -> vector<4096x256xf32>
    %get3A_16 = arith.constant 0 : index
    %get3A_17 = arith.constant 0 : index
    %get3A_18 = vector.load %arg1[%get3A_16, %get3A_17] : memref<4096x256xf32, #tpu.memory_space<vmem>>, vector<4096x256xf32>
    %sub3A = arith.subf %dot_general3A_15, %get3A_18 : vector<4096x256xf32>
    %add3A = arith.addf %get3A_18, %sub3A : vector<4096x256xf32>
    %swap3A = arith.constant 0 : index
    %swap3A_19 = arith.constant 0 : index
    %swap3A_20 = vector.load %arg4[%swap3A, %swap3A_19] : memref<4096x256xf32, #tpu.memory_space<vmem>>, vector<4096x256xf32>
    tpu.vector_store %arg4[%swap3A, %swap3A_19], %add3A {strides = array<i32>} : memref<4096x256xf32, #tpu.memory_space<vmem>>, vector<4096x256xf32>,
    %get3A_21 = arith.constant 0 : index
    %get3A_22 = arith.constant 0 : index
    %get3A_23 = vector.load %arg7[%get3A_21, %get3A_22] : memref<1x256xf32, #tpu.memory_space<vmem>>, vector<1x256xf32>
    %mul3A = arith.mulf %sub3A, %sub3A : vector<4096x256xf32>
    %reduce_sum3A = arith.constant dense<0.000000e+00> : vector<256xf32>
    %reduce_sum3A_24 = vector.multi_reduction <add>, %mul3A, %reduce_sum3A [0] : vector<4096x256xf32> to vector<256xf32>
    %broadcast_in_dim3A_25 = vector.shape_cast %reduce_sum3A_24 : vector<256xf32> to vector<1x256xf32>
    %add3A_26 = arith.addf %get3A_23, %broadcast_in_dim3A_25 : vector<1x256xf32>
    %swap3A_27 = arith.constant 0 : index
    %swap3A_28 = arith.constant 0 : index
    %swap3A_29 = vector.load %arg7[%swap3A_27, %swap3A_28] : memref<1x256xf32, #tpu.memory_space<vmem>>, vector<1x256xf32>
    tpu.vector_store %arg7[%swap3A_27, %swap3A_28], %add3A_26 {strides = array<i32>} : memref<1x256xf32, #tpu.memory_space<vmem>>, vector<1x256xf32>,
    %eq3A_30 = arith.constant 1 : i32
    %eq3A_31 = arith.cmpi eq, %arg0, %eq3A_30 : i32
    %convert_element_type3A_32 = arith.extui %eq3A_31 : i1 to i32
    %cond3A_33 = arith.constant 0 : i32
    %cond3A_34 = arith.cmpi ne, %convert_element_type3A_32, %cond3A_33 : i32
    scf.if %cond3A_34 {
      %get3A_35 = arith.constant 0 : index
      %get3A_36 = arith.constant 0 : index
      %get3A_37 = vector.load %arg7[%get3A_35, %get3A_36] : memref<1x256xf32, #tpu.memory_space<vmem>>, vector<1x256xf32>
      %swap3A_38 = arith.constant 0 : index
      %swap3A_39 = arith.constant 0 : index
      %swap3A_40 = vector.load %arg5[%swap3A_38, %swap3A_39] : memref<1x256xf32, #tpu.memory_space<vmem>>, vector<1x256xf32>
      tpu.vector_store %arg5[%swap3A_38, %swap3A_39], %get3A_37 {strides = array<i32>} : memref<1x256xf32, #tpu.memory_space<vmem>>, vector<1x256xf32>,
    } else {
    }
    return
  }
  func.func @transform_0(%arg0: i32) -> (i32, i32) {
    %add3A = arith.constant 2 : i32
    %add3A_0 = arith.addi %arg0, %add3A : i32
    %c0_i32 = arith.constant 0 : i32
    %c0_i32_1 = arith.constant 0 : i32
    return %add3A_0, %c0_i32 : i32, i32
  }
  func.func @transform_1(%arg0: i32) -> (i32, i32, i32) {
    %add3A = arith.constant 2 : i32
    %add3A_0 = arith.addi %add3A, %arg0 : i32
    %c0_i32 = arith.constant 0 : i32
    %c0_i32_1 = arith.constant 0 : i32
    %c0_i32_2 = arith.constant 0 : i32
    return %add3A_0, %c0_i32, %c0_i32_1 : i32, i32, i32
  }
  func.func @transform_2(%arg0: i32) -> (i32, i32) {
    %c0_i32 = arith.constant 0 : i32
    %c0_i32_0 = arith.constant 0 : i32
    %c0_i32_1 = arith.constant 0 : i32
    return %c0_i32, %c0_i32_0 : i32, i32
  }
  func.func @transform_3(%arg0: i32) -> (i32, i32) {
    %add3A = arith.constant 2 : i32
    %add3A_0 = arith.addi %arg0, %add3A : i32
    %c0_i32 = arith.constant 0 : i32
    %c0_i32_1 = arith.constant 0 : i32
    return %add3A_0, %c0_i32 : i32, i32
  }
  func.func @transform_4(%arg0: i32) -> (i32, i32) {
    %c0_i32 = arith.constant 0 : i32
    %c0_i32_0 = arith.constant 0 : i32
    %c0_i32_1 = arith.constant 0 : i32
    return %c0_i32, %c0_i32_0 : i32, i32
  }
}

module attributes {stable_mosaic.version = 14 : i64} {
  func.func @_assign_body(%arg0: i32, %arg1: memref<4096x256xf32, #tpu.memory_space<vmem>>, %arg2: memref<1024x256xf32, #tpu.memory_space<vmem>>, %arg3: memref<1024x256xf32, #tpu.memory_space<vmem>>, %arg4: memref<1x1x4096xi32, #tpu.memory_space<vmem>>, %arg5: memref<1024x128xi32, #tpu.memory_space<vmem>>, %arg6: memref<1024x256xf32, #tpu.memory_space<vmem>>, %arg7: memref<1024x256xf32, #tpu.memory_space<vmem>>) attributes {dimension_semantics = [#tpu.dimension_semantics<arbitrary>], iteration_bounds = array<i64: 4>, scalar_prefetch = 0 : i64, scratch_operands = 2 : i64, tpu.core_type = #tpu.core_type<tc>, window_params = [{transform_indices = @transform_0, window_bounds = array<i64: 4096, 256>}, {pipeline_mode = #tpu.pipeline_mode<synchronous>, transform_indices = @transform_1, window_bounds = array<i64: 1024, 256>}, {pipeline_mode = #tpu.pipeline_mode<synchronous>, transform_indices = @transform_2, window_bounds = array<i64: 1024, 256>}, {transform_indices = @transform_3, window_bounds = array<i64: 1, 1, 4096>}, {pipeline_mode = #tpu.pipeline_mode<synchronous>, transform_indices = @transform_4, window_bounds = array<i64: 1024, 128>}]} {
    %eq3A = arith.constant 0 : i32
    %eq3A_0 = arith.cmpi eq, %arg0, %eq3A : i32
    %convert_element_type3A = arith.extui %eq3A_0 : i1 to i32
    %cond3A = arith.constant 0 : i32
    %cond3A_1 = arith.cmpi ne, %convert_element_type3A, %cond3A : i32
    scf.if %cond3A_1 {
      %get3A_48 = arith.constant 0 : index
      %get3A_49 = arith.constant 0 : index
      %get3A_50 = vector.load %arg2[%get3A_48, %get3A_49] : memref<1024x256xf32, #tpu.memory_space<vmem>>, vector<1024x256xf32>
      %mul3A_51 = arith.mulf %get3A_50, %get3A_50 : vector<1024x256xf32>
      %reduce_sum3A_52 = arith.constant dense<0.000000e+00> : vector<1024xf32>
      %reduce_sum3A_53 = vector.multi_reduction <add>, %mul3A_51, %reduce_sum3A_52 [1] : vector<1024x256xf32> to vector<1024xf32>
      %broadcast_in_dim3A_54 = vector.shape_cast %reduce_sum3A_53 : vector<1024xf32> to vector<1024x1xf32>
      %sqrt3A_55 = math.sqrt %broadcast_in_dim3A_54 : vector<1024x1xf32>
      %max3A_56 = arith.constant 9.99999996E-13 : f32
      %max3A_57 = vector.broadcast %max3A_56 : f32 to vector<1024x1xf32>
      %max3A_58 = arith.maximumf %sqrt3A_55, %max3A_57 : vector<1024x1xf32>
      %div3A_59 = vector.broadcast %max3A_58 : vector<1024x1xf32> to vector<1024x256xf32>
      %div3A_60 = arith.divf %get3A_50, %div3A_59 : vector<1024x256xf32>
      %mul3A_61 = arith.constant -2.000000e+00 : f32
      %mul3A_62 = vector.broadcast %mul3A_61 : f32 to vector<1024x256xf32>
      %mul3A_63 = arith.mulf %div3A_60, %mul3A_62 : vector<1024x256xf32>
      %swap3A_64 = arith.constant 0 : index
      %swap3A_65 = arith.constant 0 : index
      %swap3A_66 = vector.load %arg6[%swap3A_64, %swap3A_65] : memref<1024x256xf32, #tpu.memory_space<vmem>>, vector<1024x256xf32>
      tpu.vector_store %arg6[%swap3A_64, %swap3A_65], %mul3A_63 {strides = array<i32>} : memref<1024x256xf32, #tpu.memory_space<vmem>>, vector<1024x256xf32>,
      %broadcast_in_dim3A_67 = arith.constant 0.000000e+00 : f32
      %broadcast_in_dim3A_68 = vector.broadcast %broadcast_in_dim3A_67 : f32 to vector<1024x256xf32>
      %swap3A_69 = arith.constant 0 : index
      %swap3A_70 = arith.constant 0 : index
      %swap3A_71 = vector.load %arg7[%swap3A_69, %swap3A_70] : memref<1024x256xf32, #tpu.memory_space<vmem>>, vector<1024x256xf32>
      tpu.vector_store %arg7[%swap3A_69, %swap3A_70], %broadcast_in_dim3A_68 {strides = array<i32>} : memref<1024x256xf32, #tpu.memory_space<vmem>>, vector<1024x256xf32>,
    } else {
    }
    %get3A = arith.constant 0 : index
    %get3A_2 = arith.constant 0 : index
    %get3A_3 = vector.load %arg1[%get3A, %get3A_2] : memref<4096x256xf32, #tpu.memory_space<vmem>>, vector<4096x256xf32>
    %mul3A = arith.mulf %get3A_3, %get3A_3 : vector<4096x256xf32>
    %reduce_sum3A = arith.constant dense<0.000000e+00> : vector<4096xf32>
    %reduce_sum3A_4 = vector.multi_reduction <add>, %mul3A, %reduce_sum3A [1] : vector<4096x256xf32> to vector<4096xf32>
    %broadcast_in_dim3A = vector.shape_cast %reduce_sum3A_4 : vector<4096xf32> to vector<4096x1xf32>
    %sqrt3A = math.sqrt %broadcast_in_dim3A : vector<4096x1xf32>
    %max3A = arith.constant 9.99999996E-13 : f32
    %max3A_5 = vector.broadcast %max3A : f32 to vector<4096x1xf32>
    %max3A_6 = arith.maximumf %sqrt3A, %max3A_5 : vector<4096x1xf32>
    %div3A = vector.broadcast %max3A_6 : vector<4096x1xf32> to vector<4096x256xf32>
    %div3A_7 = arith.divf %get3A_3, %div3A : vector<4096x256xf32>
    %get3A_8 = arith.constant 0 : index
    %get3A_9 = arith.constant 0 : index
    %get3A_10 = vector.load %arg6[%get3A_8, %get3A_9] : memref<1024x256xf32, #tpu.memory_space<vmem>>, vector<1024x256xf32>
    %dot_general3A = arith.constant dense<0.000000e+00> : vector<4096x1024xf32>
    %dot_general3A_11 = tpu.matmul %div3A_7, %get3A_10, %dot_general3A {dimension_numbers = #tpu.dot_dimension_numbers<[1], [1], [0], [0], [0, 0, 1, 0], [], []>, transpose_lhs_hint = false} : vector<4096x256xf32>, vector<1024x256xf32>, vector<4096x1024xf32> -> vector<4096x1024xf32>
    %add3A = arith.constant 2.000000e+00 : f32
    %add3A_12 = vector.broadcast %add3A : f32 to vector<4096x1024xf32>
    %add3A_13 = arith.addf %add3A_12, %dot_general3A_11 : vector<4096x1024xf32>
    %reduce_min3A = arith.constant dense<0x7F800000> : vector<4096xf32>
    %reduce_min3A_14 = vector.multi_reduction <minimumf>, %add3A_13, %reduce_min3A [1] : vector<4096x1024xf32> to vector<4096xf32>
    %broadcast_in_dim3A_15 = vector.shape_cast %reduce_min3A_14 : vector<4096xf32> to vector<4096x1xf32>
    %eq3A_16 = vector.broadcast %broadcast_in_dim3A_15 : vector<4096x1xf32> to vector<4096x1024xf32>
    %eq3A_17 = arith.cmpf oeq, %add3A_13, %eq3A_16 : vector<4096x1024xf32>
    %iota3A = tpu.iota {dimensions = array<i32: 1>} : vector<1x1024xi32>
    %convert_element_type3A_18 = arith.sitofp %iota3A : vector<1x1024xi32> to vector<1x1024xf32>
    %jit3A = arith.constant 1.024000e+03 : f32
    %broadcast_in_dim3A_19 = vector.shape_cast %convert_element_type3A_18 : vector<1x1024xf32> to vector<1x1024xf32>
    %broadcast_in_dim3A_20 = vector.broadcast %broadcast_in_dim3A_19 : vector<1x1024xf32> to vector<4096x1024xf32>
    %broadcast_in_dim3A_21 = vector.broadcast %jit3A : f32 to vector<4096x1024xf32>
    %select_n3A = arith.select %eq3A_17, %broadcast_in_dim3A_20, %broadcast_in_dim3A_21 : vector<4096x1024xi1>, vector<4096x1024xf32>
    %reduce_min3A_22 = arith.constant dense<0x7F800000> : vector<4096xf32>
    %reduce_min3A_23 = vector.multi_reduction <minimumf>, %select_n3A, %reduce_min3A_22 [1] : vector<4096x1024xf32> to vector<4096xf32>
    %convert_element_type3A_24 = arith.fptosi %reduce_min3A_23 : vector<4096xf32> to vector<4096xi32>
    %swap3A = arith.constant 0 : index
    %swap3A_25 = arith.constant 0 : index
    %swap3A_26 = arith.constant 0 : index
    %swap3A_27 = vector.load %arg4[%swap3A, %swap3A_25, %swap3A_26] : memref<1x1x4096xi32, #tpu.memory_space<vmem>>, vector<1x1x4096xi32>
    %swap3A_28 = vector.shape_cast %swap3A_27 : vector<1x1x4096xi32> to vector<4096xi32>
    %swap3A_29 = vector.shape_cast %convert_element_type3A_24 : vector<4096xi32> to vector<1x1x4096xi32>
    tpu.vector_store %arg4[%swap3A, %swap3A_25, %swap3A_26], %swap3A_29 {strides = array<i32>} : memref<1x1x4096xi32, #tpu.memory_space<vmem>>, vector<1x1x4096xi32>,
    %convert_element_type3A_30 = arith.extui %eq3A_17 : vector<4096x1024xi1> to vector<4096x1024xi32>
    %convert_element_type3A_31 = arith.sitofp %convert_element_type3A_30 : vector<4096x1024xi32> to vector<4096x1024xf32>
    %convert_element_type3A_32 = arith.truncf %convert_element_type3A_31 : vector<4096x1024xf32> to vector<4096x1024xbf16>
    %convert_element_type3A_33 = arith.truncf %div3A_7 : vector<4096x256xf32> to vector<4096x256xbf16>
    %dot_general3A_34 = arith.constant dense<0.000000e+00> : vector<1024x256xf32>
    %dot_general3A_35 = tpu.matmul %convert_element_type3A_32, %convert_element_type3A_33, %dot_general3A_34 {dimension_numbers = #tpu.dot_dimension_numbers<[0], [0], [1], [1], [0, 1, 1, 1], [], []>, transpose_lhs_hint = false} : vector<4096x1024xbf16>, vector<4096x256xbf16>, vector<1024x256xf32> -> vector<1024x256xf32>
    %get3A_36 = arith.constant 0 : index
    %get3A_37 = arith.constant 0 : index
    %get3A_38 = vector.load %arg7[%get3A_36, %get3A_37] : memref<1024x256xf32, #tpu.memory_space<vmem>>, vector<1024x256xf32>
    %add3A_39 = arith.addf %get3A_38, %dot_general3A_35 : vector<1024x256xf32>
    %swap3A_40 = arith.constant 0 : index
    %swap3A_41 = arith.constant 0 : index
    %swap3A_42 = vector.load %arg7[%swap3A_40, %swap3A_41] : memref<1024x256xf32, #tpu.memory_space<vmem>>, vector<1024x256xf32>
    tpu.vector_store %arg7[%swap3A_40, %swap3A_41], %add3A_39 {strides = array<i32>} : memref<1024x256xf32, #tpu.memory_space<vmem>>, vector<1024x256xf32>,
    %eq3A_43 = arith.constant 3 : i32
    %eq3A_44 = arith.cmpi eq, %arg0, %eq3A_43 : i32
    %convert_element_type3A_45 = arith.extui %eq3A_44 : i1 to i32
    %cond3A_46 = arith.constant 0 : i32
    %cond3A_47 = arith.cmpi ne, %convert_element_type3A_45, %cond3A_46 : i32
    scf.if %cond3A_47 {
      %get3A_48 = arith.constant 0 : index
      %get3A_49 = arith.constant 0 : index
      %get3A_50 = vector.load %arg3[%get3A_48, %get3A_49] : memref<1024x256xf32, #tpu.memory_space<vmem>>, vector<1024x256xf32>
      %mul3A_51 = arith.constant 9.700000e-01 : f32
      %mul3A_52 = vector.broadcast %mul3A_51 : f32 to vector<1024x256xf32>
      %mul3A_53 = arith.mulf %get3A_50, %mul3A_52 : vector<1024x256xf32>
      %get3A_54 = arith.constant 0 : index
      %get3A_55 = arith.constant 0 : index
      %get3A_56 = vector.load %arg7[%get3A_54, %get3A_55] : memref<1024x256xf32, #tpu.memory_space<vmem>>, vector<1024x256xf32>
      %mul3A_57 = arith.constant 3.000000e-02 : f32
      %mul3A_58 = vector.broadcast %mul3A_57 : f32 to vector<1024x256xf32>
      %mul3A_59 = arith.mulf %mul3A_58, %get3A_56 : vector<1024x256xf32>
      %add3A_60 = arith.addf %mul3A_53, %mul3A_59 : vector<1024x256xf32>
      %mul3A_61 = arith.mulf %add3A_60, %add3A_60 : vector<1024x256xf32>
      %reduce_sum3A_62 = arith.constant dense<0.000000e+00> : vector<1024xf32>
      %reduce_sum3A_63 = vector.multi_reduction <add>, %mul3A_61, %reduce_sum3A_62 [1] : vector<1024x256xf32> to vector<1024xf32>
      %broadcast_in_dim3A_64 = vector.shape_cast %reduce_sum3A_63 : vector<1024xf32> to vector<1024x1xf32>
      %sqrt3A_65 = math.sqrt %broadcast_in_dim3A_64 : vector<1024x1xf32>
      %max3A_66 = arith.constant 9.99999996E-13 : f32
      %max3A_67 = vector.broadcast %max3A_66 : f32 to vector<1024x1xf32>
      %max3A_68 = arith.maximumf %sqrt3A_65, %max3A_67 : vector<1024x1xf32>
      %div3A_69 = vector.broadcast %max3A_68 : vector<1024x1xf32> to vector<1024x256xf32>
      %div3A_70 = arith.divf %add3A_60, %div3A_69 : vector<1024x256xf32>
      %slice3A = vector.extract_strided_slice %div3A_70 {offsets = [0, 0], sizes = [1024, 128], strides = [1, 1]} : vector<1024x256xf32> to vector<1024x128xf32>
      %convert_element_type3A_71 = arith.truncf %slice3A : vector<1024x128xf32> to vector<1024x128xbf16>
      %bitcast_convert_type3A = tpu.bitcast %convert_element_type3A_71 : vector<1024x128xbf16> -> vector<1024x128xi16>
      %convert_element_type3A_72 = arith.extui %bitcast_convert_type3A : vector<1024x128xi16> to vector<1024x128xi32>
      %slice3A_73 = vector.extract_strided_slice %div3A_70 {offsets = [0, 128], sizes = [1024, 128], strides = [1, 1]} : vector<1024x256xf32> to vector<1024x128xf32>
      %convert_element_type3A_74 = arith.truncf %slice3A_73 : vector<1024x128xf32> to vector<1024x128xbf16>
      %bitcast_convert_type3A_75 = tpu.bitcast %convert_element_type3A_74 : vector<1024x128xbf16> -> vector<1024x128xi16>
      %convert_element_type3A_76 = arith.extui %bitcast_convert_type3A_75 : vector<1024x128xi16> to vector<1024x128xi32>
      %shift_left3A = arith.constant 16 : i32
      %shift_left3A_77 = vector.broadcast %shift_left3A : i32 to vector<1024x128xi32>
      %shift_left3A_78 = arith.shli %convert_element_type3A_76, %shift_left3A_77 : vector<1024x128xi32>
      %or3A = arith.ori %convert_element_type3A_72, %shift_left3A_78 : vector<1024x128xi32>
      %swap3A_79 = arith.constant 0 : index
      %swap3A_80 = arith.constant 0 : index
      %swap3A_81 = vector.load %arg5[%swap3A_79, %swap3A_80] : memref<1024x128xi32, #tpu.memory_space<vmem>>, vector<1024x128xi32>
      tpu.vector_store %arg5[%swap3A_79, %swap3A_80], %or3A {strides = array<i32>} : memref<1024x128xi32, #tpu.memory_space<vmem>>, vector<1024x128xi32>,
    } else {
    }
    return
  }
  func.func @transform_0(%arg0: i32) -> (i32, i32) {
    %c0_i32 = arith.constant 0 : i32
    %c0_i32_0 = arith.constant 0 : i32
    return %arg0, %c0_i32 : i32, i32
  }
  func.func @transform_1(%arg0: i32) -> (i32, i32) {
    %c0_i32 = arith.constant 0 : i32
    %c0_i32_0 = arith.constant 0 : i32
    %c0_i32_1 = arith.constant 0 : i32
    return %c0_i32, %c0_i32_0 : i32, i32
  }
  func.func @transform_2(%arg0: i32) -> (i32, i32) {
    %c0_i32 = arith.constant 0 : i32
    %c0_i32_0 = arith.constant 0 : i32
    %c0_i32_1 = arith.constant 0 : i32
    return %c0_i32, %c0_i32_0 : i32, i32
  }
  func.func @transform_3(%arg0: i32) -> (i32, i32, i32) {
    %c0_i32 = arith.constant 0 : i32
    %c0_i32_0 = arith.constant 0 : i32
    %c0_i32_1 = arith.constant 0 : i32
    return %arg0, %c0_i32, %c0_i32_0 : i32, i32, i32
  }
  func.func @transform_4(%arg0: i32) -> (i32, i32) {
    %c0_i32 = arith.constant 0 : i32
    %c0_i32_0 = arith.constant 0 : i32
    %c0_i32_1 = arith.constant 0 : i32
    return %c0_i32, %c0_i32_0 : i32, i32
  }
}

module attributes {stable_mosaic.version = 14 : i64} {
  func.func @_half1_body(%arg0: i32, %arg1: memref<4096x256xf32, #tpu.memory_space<vmem>>, %arg2: memref<4096x128xi32, #tpu.memory_space<vmem>>, %arg3: memref<1x256xf32, #tpu.memory_space<vmem>>, %arg4: memref<8x128xf32, #tpu.memory_space<vmem>>, %arg5: memref<4096x256xf32, #tpu.memory_space<vmem>>, %arg6: memref<1x1xf32, #tpu.memory_space<smem>>, %arg7: memref<1x256xf32, #tpu.memory_space<vmem>>) attributes {dimension_semantics = [#tpu.dimension_semantics<arbitrary>], iteration_bounds = array<i64: 2>, scalar_prefetch = 0 : i64, scratch_operands = 1 : i64, tpu.core_type = #tpu.core_type<tc>, window_params = [{transform_indices = @transform_0, window_bounds = array<i64: 4096, 256>}, {transform_indices = @transform_1, window_bounds = array<i64: 4096, 128>}, {pipeline_mode = #tpu.pipeline_mode<synchronous>, transform_indices = @transform_2, window_bounds = array<i64: 1, 256>}, {transform_indices = @transform_3, window_bounds = array<i64: 8, 128>}, {transform_indices = @transform_4, window_bounds = array<i64: 4096, 256>}, {transform_indices = @transform_5, window_bounds = array<i64: 1, 1>}]} {
    %get3A = arith.constant 0 : index
    %get3A_0 = arith.constant 0 : index
    %get3A_1 = vector.load %arg2[%get3A, %get3A_0] : memref<4096x128xi32, #tpu.memory_space<vmem>>, vector<4096x128xi32>
    %shift_left3A = arith.constant 16 : i32
    %shift_left3A_2 = vector.broadcast %shift_left3A : i32 to vector<4096x128xi32>
    %shift_left3A_3 = arith.shli %get3A_1, %shift_left3A_2 : vector<4096x128xi32>
    %bitcast_convert_type3A = tpu.bitcast %shift_left3A_3 : vector<4096x128xi32> -> vector<4096x128xf32>
    %and3A = arith.constant -65536 : i32
    %and3A_4 = vector.broadcast %and3A : i32 to vector<4096x128xi32>
    %and3A_5 = arith.andi %get3A_1, %and3A_4 : vector<4096x128xi32>
    %bitcast_convert_type3A_6 = tpu.bitcast %and3A_5 : vector<4096x128xi32> -> vector<4096x128xf32>
    %get3A_7 = arith.constant 0 : index
    %get3A_8 = arith.constant 0 : index
    %get3A_9 = vector.load %arg1[%get3A_7, %get3A_8] : memref<4096x256xf32, #tpu.memory_space<vmem>>, vector<4096x128xf32>
    %get3A_10 = arith.constant 0 : index
    %get3A_11 = arith.constant 128 : index
    %get3A_12 = vector.load %arg1[%get3A_10, %get3A_11] : memref<4096x256xf32, #tpu.memory_space<vmem>>, vector<4096x128xf32>
    %sub3A = arith.subf %bitcast_convert_type3A, %get3A_9 : vector<4096x128xf32>
    %sub3A_13 = arith.subf %bitcast_convert_type3A_6, %get3A_12 : vector<4096x128xf32>
    %add3A = arith.addf %get3A_9, %sub3A : vector<4096x128xf32>
    %swap3A = arith.constant 0 : index
    %swap3A_14 = arith.constant 0 : index
    %swap3A_15 = vector.load %arg5[%swap3A, %swap3A_14] : memref<4096x256xf32, #tpu.memory_space<vmem>>, vector<4096x128xf32>
    tpu.vector_store %arg5[%swap3A, %swap3A_14], %add3A {strides = array<i32>} : memref<4096x256xf32, #tpu.memory_space<vmem>>, vector<4096x128xf32>,
    %add3A_16 = arith.addf %get3A_12, %sub3A_13 : vector<4096x128xf32>
    %swap3A_17 = arith.constant 0 : index
    %swap3A_18 = arith.constant 128 : index
    %swap3A_19 = vector.load %arg5[%swap3A_17, %swap3A_18] : memref<4096x256xf32, #tpu.memory_space<vmem>>, vector<4096x128xf32>
    tpu.vector_store %arg5[%swap3A_17, %swap3A_18], %add3A_16 {strides = array<i32>} : memref<4096x256xf32, #tpu.memory_space<vmem>>, vector<4096x128xf32>,
    %eq3A = arith.constant 0 : i32
    %eq3A_20 = arith.cmpi eq, %arg0, %eq3A : i32
    %convert_element_type3A = arith.extui %eq3A_20 : i1 to i32
    %cond3A = arith.constant 0 : i32
    %cond3A_21 = arith.cmpi ne, %convert_element_type3A, %cond3A : i32
    scf.if %cond3A_21 {
      %broadcast_in_dim3A_39 = arith.constant 0.000000e+00 : f32
      %broadcast_in_dim3A_40 = vector.broadcast %broadcast_in_dim3A_39 : f32 to vector<1x256xf32>
      %swap3A_41 = arith.constant 0 : index
      %swap3A_42 = arith.constant 0 : index
      %swap3A_43 = vector.load %arg7[%swap3A_41, %swap3A_42] : memref<1x256xf32, #tpu.memory_space<vmem>>, vector<1x256xf32>
      tpu.vector_store %arg7[%swap3A_41, %swap3A_42], %broadcast_in_dim3A_40 {strides = array<i32>} : memref<1x256xf32, #tpu.memory_space<vmem>>, vector<1x256xf32>,
    } else {
    }
    %get3A_22 = arith.constant 0 : index
    %get3A_23 = arith.constant 0 : index
    %get3A_24 = vector.load %arg7[%get3A_22, %get3A_23] : memref<1x256xf32, #tpu.memory_space<vmem>>, vector<1x256xf32>
    %mul3A = arith.mulf %sub3A, %sub3A : vector<4096x128xf32>
    %reduce_sum3A = arith.constant dense<0.000000e+00> : vector<128xf32>
    %reduce_sum3A_25 = vector.multi_reduction <add>, %mul3A, %reduce_sum3A [0] : vector<4096x128xf32> to vector<128xf32>
    %broadcast_in_dim3A = vector.shape_cast %reduce_sum3A_25 : vector<128xf32> to vector<1x128xf32>
    %mul3A_26 = arith.mulf %sub3A_13, %sub3A_13 : vector<4096x128xf32>
    %reduce_sum3A_27 = arith.constant dense<0.000000e+00> : vector<128xf32>
    %reduce_sum3A_28 = vector.multi_reduction <add>, %mul3A_26, %reduce_sum3A_27 [0] : vector<4096x128xf32> to vector<128xf32>
    %broadcast_in_dim3A_29 = vector.shape_cast %reduce_sum3A_28 : vector<128xf32> to vector<1x128xf32>
    %concatenate3A = tpu.concatenate %broadcast_in_dim3A, %broadcast_in_dim3A_29 in 1 : vector<1x128xf32>, vector<1x128xf32> -> vector<1x256xf32>
    %add3A_30 = arith.addf %get3A_24, %concatenate3A : vector<1x256xf32>
    %swap3A_31 = arith.constant 0 : index
    %swap3A_32 = arith.constant 0 : index
    %swap3A_33 = vector.load %arg7[%swap3A_31, %swap3A_32] : memref<1x256xf32, #tpu.memory_space<vmem>>, vector<1x256xf32>
    tpu.vector_store %arg7[%swap3A_31, %swap3A_32], %add3A_30 {strides = array<i32>} : memref<1x256xf32, #tpu.memory_space<vmem>>, vector<1x256xf32>,
    %eq3A_34 = arith.constant 1 : i32
    %eq3A_35 = arith.cmpi eq, %arg0, %eq3A_34 : i32
    %convert_element_type3A_36 = arith.extui %eq3A_35 : i1 to i32
    %cond3A_37 = arith.constant 0 : i32
    %cond3A_38 = arith.cmpi ne, %convert_element_type3A_36, %cond3A_37 : i32
    scf.if %cond3A_38 {
      %get3A_39 = arith.constant 0 : index
      %get3A_40 = arith.constant 0 : index
      %get3A_41 = vector.load %arg7[%get3A_39, %get3A_40] : memref<1x256xf32, #tpu.memory_space<vmem>>, vector<1x256xf32>
      %reduce_sum3A_42 = vector.shape_cast %get3A_41 : vector<1x256xf32> to vector<1x1x256xf32>
      %reduce_sum3A_43 = arith.constant dense<0.000000e+00> : vector<1xf32>
      %reduce_sum3A_44 = vector.multi_reduction <add>, %reduce_sum3A_42, %reduce_sum3A_43 [1, 2] : vector<1x1x256xf32> to vector<1xf32>
      %reduce_sum3A_45 = vector.shape_cast %reduce_sum3A_44 : vector<1xf32> to vector<1x1x1xf32>
      %reduce_sum3A_46 = vector.extract %reduce_sum3A_45[0, 0, 0] : f32 from vector<1x1x1xf32>
      %get3A_47 = arith.constant 0 : index
      %get3A_48 = arith.constant 0 : index
      %get3A_49 = vector.load %arg3[%get3A_47, %get3A_48] : memref<1x256xf32, #tpu.memory_space<vmem>>, vector<1x256xf32>
      %reduce_sum3A_50 = vector.shape_cast %get3A_49 : vector<1x256xf32> to vector<1x1x256xf32>
      %reduce_sum3A_51 = arith.constant dense<0.000000e+00> : vector<1xf32>
      %reduce_sum3A_52 = vector.multi_reduction <add>, %reduce_sum3A_50, %reduce_sum3A_51 [1, 2] : vector<1x1x256xf32> to vector<1xf32>
      %reduce_sum3A_53 = vector.shape_cast %reduce_sum3A_52 : vector<1xf32> to vector<1x1x1xf32>
      %reduce_sum3A_54 = vector.extract %reduce_sum3A_53[0, 0, 0] : f32 from vector<1x1x1xf32>
      %add3A_55 = arith.addf %reduce_sum3A_46, %reduce_sum3A_54 : f32
      %mul3A_56 = arith.constant 2.500000e-01 : f32
      %mul3A_57 = arith.mulf %mul3A_56, %add3A_55 : f32
      %div3A = arith.constant 0x4A800000 : f32
      %div3A_58 = arith.divf %mul3A_57, %div3A : f32
      %swap3A_59 = arith.constant 0 : index
      %swap3A_60 = arith.constant 0 : index
      %swap3A_61 = memref.load %arg6[%swap3A_59, %swap3A_60] : memref<1x1xf32, #tpu.memory_space<smem>>
      memref.store %div3A_58, %arg6[%swap3A_59, %swap3A_60] : memref<1x1xf32, #tpu.memory_space<smem>>
    } else {
    }
    return
  }
  func.func @transform_0(%arg0: i32) -> (i32, i32) {
    %c0_i32 = arith.constant 0 : i32
    %c0_i32_0 = arith.constant 0 : i32
    return %arg0, %c0_i32 : i32, i32
  }
  func.func @transform_1(%arg0: i32) -> (i32, i32) {
    %c0_i32 = arith.constant 0 : i32
    %c0_i32_0 = arith.constant 0 : i32
    return %arg0, %c0_i32 : i32, i32
  }
  func.func @transform_2(%arg0: i32) -> (i32, i32) {
    %c0_i32 = arith.constant 0 : i32
    %c0_i32_0 = arith.constant 0 : i32
    %c0_i32_1 = arith.constant 0 : i32
    return %c0_i32, %c0_i32_0 : i32, i32
  }
  func.func @transform_3(%arg0: i32) -> (i32, i32) {
    %c0_i32 = arith.constant 0 : i32
    %c0_i32_0 = arith.constant 0 : i32
    %c0_i32_1 = arith.constant 0 : i32
    return %c0_i32, %c0_i32_0 : i32, i32
  }
  func.func @transform_4(%arg0: i32) -> (i32, i32) {
    %c0_i32 = arith.constant 0 : i32
    %c0_i32_0 = arith.constant 0 : i32
    return %arg0, %c0_i32 : i32, i32
  }
  func.func @transform_5(%arg0: i32) -> (i32, i32) {
    %c0_i32 = arith.constant 0 : i32
    %c0_i32_0 = arith.constant 0 : i32
    %c0_i32_1 = arith.constant 0 : i32
    return %c0_i32, %c0_i32_0 : i32, i32
  }
}

</mosaic_0001>

<sc_bundles>
// kernel: kernel.6.cloned.1.call-start
scs
__scs_entry_jumppad:
0x0: {  	(pc) =	sbr.rel $0x88, $3  }
0x1: {  	(tag) =	ssettag $0x0;
	lr =	simm.s32 $0x1  }
0x2: {  	[smem:$0x3F9E] =	sst lr;
	_ =	strace $0xD0000000  }
0x3: {  	_ = 	snop  }
0x4: {  	_ = 	snop  }
0x5: {  	_ = 	snop  }
0x6: {  	_ = 	snop  }
0x7: {  	_ = 	snop  }
__scs_overlays_trampoline_lowered:
0x8: {  	[smem:$0x3FAD] =	sst s0  }
0x9: {  	[smem:$0x3FAE] =	sst s1  }
0xa: {  	[smem:$0x3FAF] =	sst s2  }
0xb: {  	[smem:$0x3FB0] =	sst s3  }
0xc: {  	[smem:$0x3FB1] =	sst s4  }
0xd: {  	[smem:$0x3FB2] =	sst s5  }
0xe: {  	[smem:$0x3FB3] =	sst s6  }
0xf: {  	[smem:$0x3FB4] =	sst s7  }
0x10: {  	[smem:$0x3FB5] =	sst s8  }
0x11: {  	[smem:$0x3FB6] =	sst s9;
	s0 =	simm.s32 @!p0 $0x0  }
0x12: {  	s1 =	sld [smem:$0x3F9C];
	s0 =	simm.s32 @p0 $0x1  }
0x13: {  	[smem:$0x3FB7] =	sst s0;
	s0 =	simm.s32 @!p1 $0x0  }
0x14: {  	s2 =	sld [smem:$0x3F9B];
	s0 =	simm.s32 @p1 $0x1  }
0x15: {  	[smem:$0x3FB8] =	sst s0;
	s0 =	simm.s32 @!p2 $0x0  }
0x16: {  	s3 =	sld [smem:$0x3FDB];
	s0 =	simm.s32 @p2 $0x1  }
0x17: {  	s4 =	simm.s32 $0x1BF5;
	[smem:$0x3FBA] =	sst s0  }
0x18: {  	s0 =	sld [smem:$0x3F9D];
	_ =	swait.ge [sflag:s4], $0x0  }
0x19: {  	s7 =	sld [smem:$0x3F9E]  }
0x1a: {  	s8 =	sadd.s32 $0xFFFFE003, lr  }
0x1b: {  	s9 =	sadd.s32 $0xFFFFFEF7, lr;
	s5 =	simm.s32 $0xFFFFFFFF;
	p2 =	slt.u32 s8, $0xFFFFF086  }
0x1c: {  	p1 =	slt.u32 s9, $0xF7A;
	s5 =	simm.s32 @!p2 $0x0  }
0x1d: {  	s5 =	simm.s32 @p1 $0x1;
	p0 =	seq.s32 s7, s2  }
0x1e: {  	s7 =	smul.u32 @!p0 $0xF7A, s2;
	p2 =	seq.s32 @!p0 s5, $0x0  }
0x1f: {  	s9 =	smul.u32 $0xF7A, s1;
	s8 =	simm.s32 @!p0 $0x1BF5;
	p2 =	por !p2, p0  }
0x20: {  	[sflag:s8] =	ssyncset.s32 @!p0 $0xFFFFF086;
	s6 =	sadd.s32 @!p0 s3, s7;
	s7 =	simm.s32 @!p0 $0x108  }
0x21: {  	s3 =	sadd.s32 s3, s9;
	s6 =	sadd.s32 @!p0 $0x88, s6;
	s7 =	simm.s32 @p2 $0x1082  }
0x22: {  	[simem:s7], [sflag:s8] =	dma.local @!p0 [hbm:s6], $0xF7A  }
0x23: {  	s9 =	sor.u32 $0xD0000000, s2;
	s6 =	simm.s32 $0x108;
	_ =	swait.ge @!p0 [sflag:s8], $0x0  }
0x24: {  	s3 =	sadd.s32 $0x88, s3;
	s6 =	simm.s32 @!p1 $0x1082;
	[sflag:s4] =	ssyncset.s32 $0xFFFFF086  }
0x25: {  	[simem:s6], [sflag:s4] =	dma.local [hbm:s3], $0xF7A  }
0x26: {  	[smem:$0x3F9E] =	sst s1;
	(tag) =	ssettag s2;
	_ =	strace s9  }
0x27: {  	s1 =	sld [smem:$0x3FAE]  }
0x28: {  	s2 =	sld [smem:$0x3FAF]  }
0x29: {  	s4 =	sld [smem:$0x3FB1]  }
0x2a: {  	p0 =	seq.s32 s5, $0x0;
	s5 =	sld [smem:$0x3FB2]  }
0x2b: {  	s6 =	sld [smem:$0x3FB3]  }
0x2c: {  	s7 =	sld [smem:$0x3FB4]  }
0x2d: {  	s3 =	simm.s32 $0x108;
	s8 =	sld [smem:$0x3FB5]  }
0x2e: {  	s3 =	simm.s32 @!p0 $0x1082;
	s9 =	sld [smem:$0x3FB6]  }
0x2f: {  	lr =	sadd.s32 s0, s3;
	s0 =	sld [smem:$0x3FAD]  }
0x30: {  	s3 =	sld [smem:$0x3FB0]  }
0x31: {  	[smem:$0x3FB9] =	sst s10  }
0x32: {  	s10 =	sld [smem:$0x3FB7];
	_ =	sdelay $0x3  }
0x33: {  	p0 =	seq.s32 s10, $0x1;
	s10 =	sld [smem:$0x3FB9];
	_ =	sdelay $0x3  }
0x34: {  	[smem:$0x3FB9] =	sst s10  }
0x35: {  	s10 =	sld [smem:$0x3FB8];
	_ =	sdelay $0x3  }
0x36: {  	p1 =	seq.s32 s10, $0x1;
	s10 =	sld [smem:$0x3FB9];
	_ =	sdelay $0x3  }
0x37: {  	[smem:$0x3FB9] =	sst s10  }
0x38: {  	s10 =	sld [smem:$0x3FBA]  }
0x39: {  	_ = 	snop;
	(pc) =	sbr.ind lr, $3  }
0x3a: {  	_ = 	snop  }
0x3b: {  	_ = 	snop  }
0x3c: {  	p2 =	seq.s32 s10, $0x1;
	s10 =	sld [smem:$0x3FB9]  }
0x3d: {  	_ =	shalt  }
0x3e: {  	_ =	shalt  }
0x3f: {  	_ =	shalt  }
0x40: {  	_ =	shalt  }
0x41: {  	_ =	shalt  }
0x42: {  	_ =	shalt  }
0x43: {  	_ =	shalt  }
0x44: {  	_ =	shalt  }
0x45: {  	_ =	shalt  }
0x46: {  	_ =	shalt  }
0x47: {  	_ =	shalt  }
0x48: {  	_ =	shalt  }
0x49: {  	_ =	shalt  }
0x4a: {  	_ =	shalt  }
0x4b: {  	_ =	shalt  }
0x4c: {  	_ =	shalt  }
0x4d: {  	_ =	shalt  }
0x4e: {  	_ =	shalt  }
0x4f: {  	_ =	shalt  }
0x50: {  	_ =	shalt  }
0x51: {  	_ =	shalt  }
0x52: {  	_ =	shalt  }
0x53: {  	_ =	shalt  }
0x54: {  	_ =	shalt  }
0x55: {  	_ =	shalt  }
0x56: {  	_ =	shalt  }
0x57: {  	_ =	shalt  }
0x58: {  	_ =	shalt  }
0x59: {  	_ =	shalt  }
0x5a: {  	_ =	shalt  }
0x5b: {  	_ =	shalt  }
0x5c: {  	_ =	shalt  }
0x5d: {  	_ =	shalt  }
0x5e: {  	_ =	shalt  }
0x5f: {  	_ =	shalt  }
0x60: {  	_ =	shalt  }
0x61: {  	_ =	shalt  }
0x62: {  	_ =	shalt  }
0x63: {  	_ =	shalt  }
0x64: {  	_ =	shalt  }
0x65: {  	_ =	shalt  }
0x66: {  	_ =	shalt  }
0x67: {  	_ =	shalt  }
0x68: {  	_ =	shalt  }
0x69: {  	_ =	shalt  }
0x6a: {  	_ =	shalt  }
0x6b: {  	_ =	shalt  }
0x6c: {  	_ =	shalt  }
0x6d: {  	_ =	shalt  }
0x6e: {  	_ =	shalt  }
0x6f: {  	_ =	shalt  }
0x70: {  	_ =	shalt  }
0x71: {  	_ =	shalt  }
0x72: {  	_ =	shalt  }
0x73: {  	_ =	shalt  }
0x74: {  	_ =	shalt  }
0x75: {  	_ =	shalt  }
0x76: {  	_ =	shalt  }
0x77: {  	_ =	shalt  }
0x78: {  	_ =	shalt  }
0x79: {  	_ =	shalt  }
0x7a: {  	_ =	shalt  }
0x7b: {  	_ =	shalt  }
0x7c: {  	_ =	shalt  }
0x7d: {  	_ =	shalt  }
0x7e: {  	_ =	shalt  }
0x7f: {  	_ =	shalt  }
0x80: {  	_ =	shalt  }
0x81: {  	_ =	shalt  }
0x82: {  	_ =	shalt  }
0x83: {  	_ =	shalt  }
0x84: {  	_ =	shalt  }
0x85: {  	_ =	shalt  }
0x86: {  	_ =	shalt  }
0x87: {  	_ =	shalt  }
.Lfunc_end0:
.L_simem_size_0:
called_computation_lowered:
.L_overlay_start_0:
0x88: {  	s2 =	sld [smem:$0x3FD9]  }
0x89: {  	s3 =	sld [smem:$0x3FFE];
	_ =	sdelay $0x1  }
0x8a: {  	s1 =	srdreg.scid  }
0x8b: {  	s0 =	sand.u32 $0x1, s1  }
0x8c: {  	s14 =	sshll.u32 s0, $0xA;
	s2 =	sadd.s32 s3, s2  }
0x8d: {  	s2 =	sadd.s32 s2, s14  }
0x8e: {  	[smem:$0x3FC5] =	sst s2  }
0x8f: {  	_ = 	snop  }
0x90: {  	s2 =	sld [smem:$0x3FD0];
	_ =	sdelay $0x2  }
0x91: {  	s15 =	simm.s32 $0xA;
	s4 =	simm.s32 $0x10  }
0x92: {  	[smem:s4], [sflag:s15] =	dma.local [hbm:s2], $0x1  }
0x93: {  	_ =	swait.eq [sflag:s15], $0x1  }
0x94: {  	[sflag:s15] =	ssyncset.done $0x0  }
0x95: {  	[sflag:s15] =	ssyncadd.s32 $0xFFFFFFFF  }
0x96: {  	s16 =	sld [smem:$0x11];
	(tm) =	ssettm $0x1  }
0x97: {  	s17 =	sld [smem:$0x3FFB];
	_ =	sdelay $0x3  }
0x98: {  	_ =	strace s17  }
0x99: {  	s3 =	sld [smem:$0x3FFC];
	_ =	sdelay $0x3  }
0x9a: {  	_ =	strace s3  }
0x9b: {  	s3 =	sld [smem:$0x3FFD];
	_ =	sdelay $0x3  }
0x9c: {  	_ =	strace s3  }
0x9d: {  	_ =	strace $0x8FFFFFFF  }
0x9e: {  	s18 =	sld [smem:$0x3FDB];
	_ =	sdelay $0x1  }
0x9f: {  	s19 =	simm.s32 $_scs_section_size  }
0xa0: {  	s5 =	simm.s32 $_size__tile_overlayer_lowered;
	s6 =	simm.s32 $_tile_overlayer_lowered  }
0xa1: {  	s22 =	simm.s32 $0x1BFF;
	s21 =	sshll.u32 s6, $0x1;
	s3 =	sadd.s32 s19, s18  }
0xa2: {  	s7 =	simm.s32 $0x0;
	s20 =	sshll.u32 s5, $0x1;
	s5 =	sadd.s32 s21, s3  }
0xa3: {  	[timem:s7], [sflag:s22] =	dma.local [hbm:s5], s20  }
0xa4: {  	_ =	swait.ge [sflag:s22], s20  }
0xa5: {  	s4 =	ssub.s32 $0x0, s20;
	[sflag:s22] =	ssyncset.done $0x0  }
0xa6: {  	[sflag:s22] =	ssyncadd.s32 s4;
	_ =	sdelay $0x1  }
0xa7: {  	s23 =	simm.s32 $0x1B8B  }
0xa8: {  	_ =	swait.ge [sflag:s23], $0x1  }
0xa9: {  	[sflag:s23] =	ssyncset.done $0x0  }
0xaa: {  	s25 =	simm.s32 $0x1B8E;
	s24 =	sld [smem:$0x3FFE];
	[sflag:s23] =	ssyncadd.s32 $0xFFFFFFFF  }
0xab: {  	s26 =	simm.s32 $execute0_lowered;
	[smem:$0x3FD2] =	sst s25  }
0xac: {  	s5 =	sshll.u32 s26, $0x1;
	_ =	strace $0x80000046;
	[dreg:$0x1] =	wrdreg $0xFFFFFFFF  }
0xad: {  	s28 =	simm.s32 $_size_execute0_lowered;
	s3 =	sadd.s32 s3, s5;
	[dreg:$0x0] =	wrdreg $0x0  }
0xae: {  	s5 =	sshll.u32 s28, $0x1;
	[dreg:$0x2] =	wrdreg s3  }
0xaf: {  	[dreg:$0x3] =	wrdreg s5  }
0xb0: {  	[dreg:$0x4] =	wrdreg $0xC0  }
0xb1: {  	_ =	task [dreg:s7], $0x5FFFF  }
0xb2: {  	[dreg:$0x1] =	wrdreg $0xFFFFFFFF  }
0xb3: {  	[dreg:$0x0] =	wrdreg $0x60  }
0xb4: {  	[dreg:$0x2] =	wrdreg s16  }
0xb5: {  	[dreg:$0x3] =	wrdreg s24  }
0xb6: {  	[dreg:$0x4] =	wrdreg $0x9  }
0xb7: {  	_ =	task.clear_ibuf [dreg:s7], $0x5FFFF;
	_ =	strace $0x90000046  }
0xb8: {  	s29 =	simm.s32 $0x9;
	_ =	strace $0x80000048  }
0xb9: {  	_ =	swait.ge [sflag:s29], $0x1  }
0xba: {  	[sflag:s29] =	ssyncadd.s32 $0xFFFFFFFF  }
0xbb: {  	_ =	strace $0x90000048  }
0xbc: {  	_ =	sfence  }
0xbd: {  	s30 =	sld [smem:$0x0];
	_ =	sdelay $0x2  }
0xbe: {  	s31 =	sshll.u32 s1, $0xD;
	s1 =	sshrl.u32 s1, $0x2  }
0xbf: {  	s3 =	sand.u32 $0x4000, s31;
	s1 =	sadd.s32 s1, s30  }
0xc0: {  	s0 =	sor.u32 s3, s0;
	s1 =	sshll.u32 s1, $0x11  }
0xc1: {  	s0 =	sor.u32 s1, s0  }
0xc2: {  	s0 =	sadd.s32 $0x8F2B, s0  }
0xc3: {  	[sflag:s0] =	ssyncadd.remote.s32 $0x1  }
0xc4: {  	_ =	sfence.sel $0xFFFF  }
0xc5: {  	[dreg:$0x0] =	wrdreg $0xFFFFFFFF;
	(pc) =	sbr.abs _section_cstart, $3  }
0xc6: {  	[dreg:$0x1] =	wrdreg $0xFFFFFFFF  }
0xc7: {  	_ =	task.clear_ibuf [dreg:s7], $0x2FFFF;
	_ =	strace $0x9FFFFFFF  }
0xc8: {  	(tm) =	ssettm $0x7FFFFFFF  }
0xc9: {  	_ =	shalt  }
tec
execute0_lowered:
.L_overlay_start_1:
0x0: {  	(tag) =	ssettag $0x1  }
0x1: {  	s1 =	srdreg.scid  }
0x2: {  	s3 =	rddreg [dreg:$0x0];
	s0 =	stileid.u32;
	s12 =	sand.u32 $0x1, s1  }
0x3: {  	s10 =	rddreg [dreg:$0x1];
	s5 =	sshll.u32 s0, $0x8;
	s4 =	sshll.u32 s12, $0xC  }
0x4: {  	s2 =	simm.s32 $0x0;
	s1 =	rddreg [dreg:$0x2];
	s11 =	sor.u32 s5, s4  }
0x5: {  	[smem:$0x7FF] =	sst s2;
	s4 =	sshrl.u32 s11, $0x3  }
0x6: {  	_ =	strace $0x80000047;
	s3 =	sadd.s32 s3, s4;
	s4 =	simm.s32 $0x5  }
0x7: {  	[tilespmem:s2], [sflag:$0x5] =	stream.linear.gather [hbm4b:s3+s2], $0x100, $0x38;
	[tilespmem:$0x8100] =	vst v63  }
0x8: {  	_ =	swait.ge [sflag:s4], $0x100  }
0x9: {  	s6 =	simm.s32 $0x80;
	[sflag:s4] =	ssyncset.done $0x0  }
0xa: {  	s7 =	simm.s32 $0x100;
	s5 =	sadd.s32 $0x1C00, s10;
	[sflag:s4] =	ssyncadd.s32 $0xFFFFFF00  }
0xb: {  	[tilespmem:s7], [sflag:$0x1] =	stream.indirect.gather [hbm4b:s5+s6], $0x80, s2, s6, $0xb8;
	[tilespmem:$0x8100] =	vst v63  }
0xc: {  	s8 =	simm.s32 $0x4100;
	s9 =	simm.s32 $0x1  }
0xd: {  	[tilespmem:s8], [sflag:$0x2] =	stream.indirect.gather [hbm4b:s5+s6], $0x80, s6, s6, $0xb8;
	[tilespmem:$0x8100] =	vst v63  }
0xe: {  	s14 =	ssub.s32 $0x2, s12;
	s11 =	sshll.u32 s11, $0x4;
	_ =	swait.ge [sflag:s9], $0x4000  }
0xf: {  	s15 =	sshrl.u32 s14, $0x1;
	s13 =	sadd.s32 s11, s10;
	[sflag:s9] =	ssyncset.done $0x0  }
0x10: {  	s11 =	simm.s32 $0x2;
	s10 =	sadd.s32 $0x5C00, s13;
	[sflag:s9] =	ssyncadd.s32 $0xFFFFC000  }
0x11: {  	[hbm4b:s10+s2] =	stream.linear.scatter [tilespmem:s7], [sflag:$0x3], $0x4000, $0x38;
	[tilespmem:$0x8100] =	vst v63  }
0x12: {  	s14 =	ssub.s32 s14, s15;
	_ =	swait.ge [sflag:s11], $0x4000  }
0x13: {  	s15 =	smax.u32 s14, $0x1;
	s12 =	sadd.s32 $0x6400, s13;
	[sflag:s11] =	ssyncset.done $0x0  }
0x14: {  	s13 =	simm.s32 $0x3;
	p0 =	sne.s32 s15, $0x1;
	[sflag:s11] =	ssyncadd.s32 $0xFFFFC000  }
0x15: {  	[hbm4b:s12+s2] =	stream.linear.scatter [tilespmem:s8], [sflag:$0x4], $0x4000, $0x38;
	[tilespmem:$0x8100] =	vst v63  }
.Ltmp0:
0x16: {  	_ =	swait.ge [sflag:s13], $0x4000;
	(pc) =	sbr.rel @!p0 .LBB2_2-.Ltmp0, $4  }
0x17: {  	[sflag:s13] =	ssyncset.done $0x0  }
0x18: {  	s14 =	simm.s32 $0x4;
	[sflag:s13] =	ssyncadd.s32 $0xFFFFC000  }
0x19: {  	_ =	swait.ge [sflag:s14], $0x4000  }
0x1a: {  	s15 =	sadd.s32 $0xFFFFFFFF, s15;
	[sflag:s14] =	ssyncset.done $0x0  }
.LBB2_1:
0x1b: {  	p0 =	sne.s32 s15, $0x1;
	s15 =	sadd.s32 $0xFFFFFFFF, s15;
	[sflag:s14] =	ssyncadd.s32 $0xFFFFC000  }
0x1c: {  	[tilespmem:s2], [sflag:$0x5] =	stream.linear.gather [hbm4b:s3+s2], $0x100, $0x38;
	[tilespmem:$0x8100] =	vst v63  }
0x1d: {  	_ =	swait.ge [sflag:s4], $0x100  }
0x1e: {  	[sflag:s4] =	ssyncset.done $0x0  }
0x1f: {  	[sflag:s4] =	ssyncadd.s32 $0xFFFFFF00  }
0x20: {  	[tilespmem:s7], [sflag:$0x1] =	stream.indirect.gather [hbm4b:s5+s6], $0x80, s2, s6, $0xb8;
	[tilespmem:$0x8100] =	vst v63  }
0x21: {  	_ = 	snop  }
0x22: {  	[tilespmem:s8], [sflag:$0x2] =	stream.indirect.gather [hbm4b:s5+s6], $0x80, s6, s6, $0xb8;
	[tilespmem:$0x8100] =	vst v63  }
0x23: {  	_ =	swait.ge [sflag:s9], $0x4000  }
0x24: {  	[sflag:s9] =	ssyncset.done $0x0  }
0x25: {  	[sflag:s9] =	ssyncadd.s32 $0xFFFFC000  }
0x26: {  	[hbm4b:s10+s2] =	stream.linear.scatter [tilespmem:s7], [sflag:$0x3], $0x4000, $0x38;
	[tilespmem:$0x8100] =	vst v63  }
0x27: {  	_ =	swait.ge [sflag:s11], $0x4000  }
0x28: {  	[sflag:s11] =	ssyncset.done $0x0  }
0x29: {  	[sflag:s11] =	ssyncadd.s32 $0xFFFFC000  }
0x2a: {  	[hbm4b:s12+s2] =	stream.linear.scatter [tilespmem:s8], [sflag:$0x4], $0x4000, $0x38;
	[tilespmem:$0x8100] =	vst v63  }
.Ltmp1:
0x2b: {  	_ =	swait.ge [sflag:s13], $0x4000;
	(pc) =	sbr.rel @p0 .LBB2_1-.Ltmp1, $4  }
0x2c: {  	[sflag:s13] =	ssyncset.done $0x0  }
0x2d: {  	[sflag:s13] =	ssyncadd.s32 $0xFFFFC000  }
0x2e: {  	_ =	swait.ge [sflag:s14], $0x4000  }
0x2f: {  	[sflag:s14] =	ssyncset.done $0x0  }
.LBB2_2:
0x30: {  	[sflag:s14] =	ssyncadd.s32 $0xFFFFC000  }
0x31: {  	_ =	sfence.sel $0x180000  }
0x32: {  	[bflag:$0x0] =	sbarrier.arrive $0xFFFF  }
0x33: {  	p0 =	sne.s32 s0, $0x0;
	_ =	strace $0x90000047  }
0x34: {  	s0 =	sadd.s32 @!p0 $0x100000, s1;
	[bflag:$0x2] =	sbarrier.arrive $0xFFFF  }
0x35: {  	[sflag:s0] =	ssyncadd.tile.s32 @!p0 $0x1;
	_ =	shalt  }
.Lfunc_end2:
_tile_overlayer_lowered:
.L_overlay_start_2:
0x36: {  	(tag) =	ssettag $0x2  }
0x37: {  	s0 =	rddreg [dreg:$0x0];
	s2 =	stileid.u32  }
0x38: {  	s1 =	rddreg [dreg:$0x1];
	p0 =	sne.s32 s2, $0x0  }
0x39: {  	s3 =	rddreg [dreg:$0x2];
	[bflag:$0x3] =	sbarrier.arrive $0xFFFF;
	s2 =	simm.s32 @!p0 $0x1C05  }
0x3a: {  	[timem:s3], [sflag:s2] =	dma.local @!p0 [hbm:s0], s1  }
0x3b: {  	s0 =	simm.s32 @!p0 $0x5  }
0x3c: {  	_ =	swait.ge @!p0 [sflag:s0], s1  }
0x3d: {  	s1 =	ssub.s32 @!p0 $0x0, s1;
	[sflag:s0] =	ssyncset.done @!p0 $0x0  }
0x3e: {  	[sflag:s0] =	ssyncadd.s32 @!p0 s1  }
0x3f: {  	[bflag:$0x3] =	sbarrier.arrive $0xFFFF  }
0x40: {  	_ =	shalt  }

</sc_bundles>
